<compile_context>
chip_gen: v7x
topology: tpu7x:2x2x1
jax: 0.10.2.dev20260603
libtpu: 0.0.44.dev20260713+nightly
codegen_flags: <defaults>
</compile_context>

<pallas_src>
import functools

import jax
import jax.numpy as jnp
from jax import lax
from jax.experimental import pallas as pl
from jax.experimental.pallas import tpu as pltpu
from jax.experimental.pallas import tpu_sc as plsc

HIDDEN = 1024
N_EXPERTS = 128
TOP_K = 8
N_TOKENS = 32768
T_BLK = 512

NC = 2
NS = 16
NW = NC * NS
TOK_PER_W = N_TOKENS // NW
CHUNK = 64


def _scores_body(hs_ref, w_ref, out_ref):
    hs = hs_ref[...]
    w = w_ref[...]
    logits = jax.lax.dot_general(
        hs, w, (((1,), (1,)), ((), ())), preferred_element_type=jnp.float32
    )
    out_ref[...] = jax.nn.sigmoid(logits)


def _tc_scores(hidden_states, weight):
    n_tokens = hidden_states.shape[0]
    return pl.pallas_call(
        _scores_body,
        grid=(n_tokens // T_BLK,),
        in_specs=[
            pl.BlockSpec((T_BLK, HIDDEN), lambda i: (i, 0)),
            pl.BlockSpec((N_EXPERTS, HIDDEN), lambda i: (0, 0)),
        ],
        out_specs=pl.BlockSpec((T_BLK, N_EXPERTS), lambda i: (i, 0)),
        out_shape=jax.ShapeDtypeStruct((n_tokens, N_EXPERTS), jnp.float32),
    )(hidden_states, weight)


def _merge_desc(ka, va, kb, vb):
    rkb = lax.rev(kb, (0,))
    rvb = lax.rev(vb, (0,))
    m = ka >= rkb
    k = jnp.where(m, ka, rkb)
    v = jnp.where(m, va, rvb)
    return plsc.sort_key_val(k, v, descending=True)


def _sc_topk(scores_flat):
    mesh = plsc.VectorSubcoreMesh(core_axis_name="c", subcore_axis_name="s")

    @functools.partial(
        pl.kernel,
        mesh=mesh,
        compiler_params=pltpu.CompilerParams(needs_layout_passes=False),
        out_type=(
            jax.ShapeDtypeStruct((N_TOKENS * TOP_K,), jnp.int32),
            jax.ShapeDtypeStruct((N_TOKENS * TOP_K,), jnp.float32),
        ),
        scratch_types=[
            pltpu.VMEM((CHUNK * N_EXPERTS,), jnp.float32),
            pltpu.VMEM((CHUNK * TOP_K + 8,), jnp.int32),
            pltpu.VMEM((CHUNK * TOP_K + 8,), jnp.float32),
        ],
    )
    def sc_kernel(scores_hbm, idx_hbm, wt_hbm, buf, idx_st, wt_st):
        wid = lax.axis_index("s") * NC + lax.axis_index("c")
        row0 = wid * TOK_PER_W
        lane = lax.iota(jnp.int32, 16)

        def chunk_body(c, _):
            base = (row0 + c * CHUNK) * N_EXPERTS
            pltpu.sync_copy(
                scores_hbm.at[pl.ds(base, CHUNK * N_EXPERTS)], buf
            )

            def tok_body(t, _):
                off = t * N_EXPERTS
                ks = []
                vs = []
                for j in range(N_EXPERTS // 16):
                    k = buf[pl.ds(off + 16 * j, 16)]
                    v = lane + 16 * j
                    ks.append(k)
                    vs.append(v)
                kv = [
                    plsc.sort_key_val(ks[j], vs[j], descending=True)
                    for j in range(8)
                ]
                while len(kv) > 1:
                    nxt = []
                    for a in range(0, len(kv), 2):
                        nxt.append(
                            _merge_desc(
                                kv[a][0], kv[a][1], kv[a + 1][0], kv[a + 1][1]
                            )
                        )
                    kv = nxt
                kf, vf = kv[0]
                topmask = lane < TOP_K
                ssum = jnp.sum(jnp.where(topmask, kf, 0.0)) + 1e-20
                wt = kf / ssum
                idx_st[pl.ds(t * TOP_K, 16)] = vf
                wt_st[pl.ds(t * TOP_K, 16)] = wt
                return _

            lax.fori_loop(0, CHUNK, tok_body, None)
            out0 = (row0 + c * CHUNK) * TOP_K
            pltpu.sync_copy(
                idx_st.at[pl.ds(0, CHUNK * TOP_K)],
                idx_hbm.at[pl.ds(out0, CHUNK * TOP_K)],
            )
            pltpu.sync_copy(
                wt_st.at[pl.ds(0, CHUNK * TOP_K)],
                wt_hbm.at[pl.ds(out0, CHUNK * TOP_K)],
            )
            return _

        lax.fori_loop(0, TOK_PER_W // CHUNK, chunk_body, None)

    return sc_kernel(scores_flat)


def kernel(hidden_states, weight, e_score_correction_bias):
    del e_score_correction_bias
    scores = _tc_scores(hidden_states, weight)
    idx_flat, wt_flat = _sc_topk(scores.reshape(-1))
    return (
        idx_flat.reshape(N_TOKENS, TOP_K),
        wt_flat.reshape(N_TOKENS, TOP_K),
    )

# --- scband reference (transcript-rebuilt; emitter-appended) ---
"""Pipeline reference for scband-glm4v-moe-text-topk-router-38585986187310 (READ-ONLY COPY).

The authoritative reference and input builder live on the scoring server;
editing this copy changes nothing except your own understanding.
"""

import jax, jax.numpy as jnp
import numpy as np

HIDDEN = 1024
N_EXPERTS = 128
TOP_K = 8
N_GROUP = 1
TOPK_GROUP = 1
NORM_TOPK_PROB = True
ROUTED_SCALING_FACTOR = 1.0
N_TOKENS = 32768


def setup_inputs(seed: int = 0) -> dict:
    key = jax.random.key(seed)
    k1, k2 = jax.random.split(key, 2)
    hidden_states = jax.random.normal(k1, (N_TOKENS, HIDDEN), dtype=jnp.float32)
    weight = jax.random.normal(k2, (N_EXPERTS, HIDDEN), dtype=jnp.float32) * 0.02
    e_score_correction_bias = jnp.zeros((N_EXPERTS,), dtype=jnp.float32)
    return {
        "hidden_states": hidden_states,
        "weight": weight,
        "e_score_correction_bias": e_score_correction_bias,
    }


def get_topk_indices(scores, bias):
    # scores: [T, E]; bias: [E]
    scores_for_choice = scores.reshape(-1, N_EXPERTS) + bias[None, :]
    grp = scores_for_choice.reshape(-1, N_GROUP, N_EXPERTS // N_GROUP)
    group_scores = jax.lax.top_k(grp, 2)[0].sum(axis=-1)  # [T, n_group]
    group_idx = jax.lax.top_k(group_scores, TOPK_GROUP)[1]  # [T, topk_group]
    T = group_scores.shape[0]
    group_mask = jnp.zeros_like(group_scores).at[
        jnp.arange(T)[:, None], group_idx
    ].set(1.0)
    score_mask = jnp.broadcast_to(
        group_mask[:, :, None], (T, N_GROUP, N_EXPERTS // N_GROUP)
    ).reshape(-1, N_EXPERTS)
    scores_for_choice = jnp.where(score_mask > 0, scores_for_choice, 0.0)
    topk_indices = jax.lax.top_k(scores_for_choice, TOP_K)[1]
    return topk_indices


def reference(hidden_states, weight, e_score_correction_bias):
    hs = hidden_states.reshape(-1, HIDDEN).astype(jnp.float32)
    router_logits = hs @ weight.astype(jnp.float32).T  # [T, E]
    scores = jax.nn.sigmoid(router_logits)
    topk_indices = get_topk_indices(scores, e_score_correction_bias)
    topk_weights = jnp.take_along_axis(scores, topk_indices, axis=1)
    if NORM_TOPK_PROB:
        denominator = topk_weights.sum(axis=-1, keepdims=True) + 1e-20
        topk_weights = topk_weights / denominator
    topk_weights = topk_weights * ROUTED_SCALING_FACTOR
    return topk_indices, topk_weights

if __name__ == "__main__":
    import jax
    _d = setup_inputs()
    print(jax.jit(kernel)(*tuple(_d.values())))

</pallas_src>

<mosaic_0001>
#map = affine_map<(d0, d1) -> (0)>
module attributes {stable_mosaic.version = 14 : i64} {
  func.func @sc_kernel(%arg0: i32, %arg1: i32, %arg2: memref<4194304xf32, #tpu.memory_space<hbm>>, %arg3: memref<262144xi32, #tpu.memory_space<hbm>>, %arg4: memref<262144xf32, #tpu.memory_space<hbm>>, %arg5: memref<8192xf32, #tpu.memory_space<vmem>>, %arg6: memref<520xi32, #tpu.memory_space<vmem>>, %arg7: memref<520xf32, #tpu.memory_space<vmem>>) attributes {dimension_semantics = [#tpu.dimension_semantics<core_parallel>, #tpu.dimension_semantics<subcore_parallel>], iteration_bounds = array<i64: 2, 16>, scalar_prefetch = 0 : i64, scratch_operands = 3 : i64, tpu.core_type = #tpu.core_type<sc_vector_subcore>, window_params = [{transform_indices = #map}, {transform_indices = #map}, {transform_indices = #map}]} {
    %mul3A = arith.constant 2 : i32
    %mul3A_0 = arith.muli %arg1, %mul3A : i32
    %add3A = arith.addi %mul3A_0, %arg0 : i32
    %mul3A_1 = arith.constant 1024 : i32
    %mul3A_2 = arith.muli %add3A, %mul3A_1 : i32
    %iota3A = tpu.iota {dimensions = array<i32: 0>} : vector<16xi32>
    %scan3A = arith.constant 0 : i32
    %scan3A_3 = arith.constant 16 : i32
    %scan3A_4 = arith.addi %scan3A, %scan3A_3 : i32
    %scan3A_5 = arith.constant 1 : i32
    scf.for %scan3A_7 = %scan3A to %scan3A_4 step %scan3A_5  : i32 {
      %mul3A_8 = arith.constant 64 : i32
      %mul3A_9 = arith.muli %scan3A_7, %mul3A_8 : i32
      %add3A_10 = arith.addi %mul3A_2, %mul3A_9 : i32
      %mul3A_11 = arith.constant 128 : i32
      %mul3A_12 = arith.muli %add3A_10, %mul3A_11 : i32
      "tpu.region"() ({
        %run_scoped3A = tpu.sem_alloc : memref<!tpu.dma_semaphore, #tpu.memory_space<semaphore_mem>>
        %dma_start3A = tpu.memref_slice %arg2[%mul3A_12] : memref<4194304xf32, #tpu.memory_space<hbm>> -> memref<8192xf32, #tpu.memory_space<hbm>>
        %dma_start3A_23 = tpu.memref_slice %arg2[%mul3A_12] : memref<4194304xf32, #tpu.memory_space<hbm>> -> memref<8192xf32, #tpu.memory_space<hbm>>
        tpu.enqueue_dma source(%dma_start3A_23 : memref<8192xf32, #tpu.memory_space<hbm>>) target(%arg5 : memref<8192xf32, #tpu.memory_space<vmem>>) target_semaphore(%run_scoped3A : memref<!tpu.dma_semaphore, #tpu.memory_space<semaphore_mem>>)
        %dma_wait3A = tpu.memref_slice %arg2[%mul3A_12] : memref<4194304xf32, #tpu.memory_space<hbm>> -> memref<8192xf32, #tpu.memory_space<hbm>>
        %dma_wait3A_24 = tpu.memref_slice %arg2[%mul3A_12] : memref<4194304xf32, #tpu.memory_space<hbm>> -> memref<8192xf32, #tpu.memory_space<hbm>>
        tpu.wait_dma2 semaphore(%run_scoped3A : memref<!tpu.dma_semaphore, #tpu.memory_space<semaphore_mem>>) src(%dma_wait3A_24 : memref<8192xf32, #tpu.memory_space<hbm>>) dst(%arg5 : memref<8192xf32, #tpu.memory_space<vmem>>)
        tpu.yield
      }) : () -> ()
      %scan3A_13 = arith.constant 0 : i32
      %scan3A_14 = arith.constant 64 : i32
      %scan3A_15 = arith.addi %scan3A_13, %scan3A_14 : i32
      %scan3A_16 = arith.constant 1 : i32
      scf.for %scan3A_23 = %scan3A_13 to %scan3A_15 step %scan3A_16  : i32 {
        %mul3A_24 = arith.constant 128 : i32
        %mul3A_25 = arith.muli %scan3A_23, %mul3A_24 : i32
        %add3A_26 = arith.constant 0 : i32
        %add3A_27 = arith.addi %mul3A_25, %add3A_26 : i32
        %get3A = arith.index_cast %add3A_27 : i32 to index
        %get3A_28 = tpu.vector_load %arg5[%get3A] {strides = array<i32>} : memref<8192xf32, #tpu.memory_space<vmem>>, vector<16xf32>,
        %add3A_29 = arith.constant 0 : i32
        %add3A_30 = vector.broadcast %add3A_29 : i32 to vector<16xi32>
        %add3A_31 = arith.addi %iota3A, %add3A_30 : vector<16xi32>
        %add3A_32 = arith.constant 16 : i32
        %add3A_33 = arith.addi %mul3A_25, %add3A_32 : i32
        %get3A_34 = arith.index_cast %add3A_33 : i32 to index
        %get3A_35 = tpu.vector_load %arg5[%get3A_34] {strides = array<i32>} : memref<8192xf32, #tpu.memory_space<vmem>>, vector<16xf32>,
        %add3A_36 = arith.constant 16 : i32
        %add3A_37 = vector.broadcast %add3A_36 : i32 to vector<16xi32>
        %add3A_38 = arith.addi %iota3A, %add3A_37 : vector<16xi32>
        %add3A_39 = arith.constant 32 : i32
        %add3A_40 = arith.addi %mul3A_25, %add3A_39 : i32
        %get3A_41 = arith.index_cast %add3A_40 : i32 to index
        %get3A_42 = tpu.vector_load %arg5[%get3A_41] {strides = array<i32>} : memref<8192xf32, #tpu.memory_space<vmem>>, vector<16xf32>,
        %add3A_43 = arith.constant 32 : i32
        %add3A_44 = vector.broadcast %add3A_43 : i32 to vector<16xi32>
        %add3A_45 = arith.addi %iota3A, %add3A_44 : vector<16xi32>
        %add3A_46 = arith.constant 48 : i32
        %add3A_47 = arith.addi %mul3A_25, %add3A_46 : i32
        %get3A_48 = arith.index_cast %add3A_47 : i32 to index
        %get3A_49 = tpu.vector_load %arg5[%get3A_48] {strides = array<i32>} : memref<8192xf32, #tpu.memory_space<vmem>>, vector<16xf32>,
        %add3A_50 = arith.constant 48 : i32
        %add3A_51 = vector.broadcast %add3A_50 : i32 to vector<16xi32>
        %add3A_52 = arith.addi %iota3A, %add3A_51 : vector<16xi32>
        %add3A_53 = arith.constant 64 : i32
        %add3A_54 = arith.addi %mul3A_25, %add3A_53 : i32
        %get3A_55 = arith.index_cast %add3A_54 : i32 to index
        %get3A_56 = tpu.vector_load %arg5[%get3A_55] {strides = array<i32>} : memref<8192xf32, #tpu.memory_space<vmem>>, vector<16xf32>,
        %add3A_57 = arith.constant 64 : i32
        %add3A_58 = vector.broadcast %add3A_57 : i32 to vector<16xi32>
        %add3A_59 = arith.addi %iota3A, %add3A_58 : vector<16xi32>
        %add3A_60 = arith.constant 80 : i32
        %add3A_61 = arith.addi %mul3A_25, %add3A_60 : i32
        %get3A_62 = arith.index_cast %add3A_61 : i32 to index
        %get3A_63 = tpu.vector_load %arg5[%get3A_62] {strides = array<i32>} : memref<8192xf32, #tpu.memory_space<vmem>>, vector<16xf32>,
        %add3A_64 = arith.constant 80 : i32
        %add3A_65 = vector.broadcast %add3A_64 : i32 to vector<16xi32>
        %add3A_66 = arith.addi %iota3A, %add3A_65 : vector<16xi32>
        %add3A_67 = arith.constant 96 : i32
        %add3A_68 = arith.addi %mul3A_25, %add3A_67 : i32
        %get3A_69 = arith.index_cast %add3A_68 : i32 to index
        %get3A_70 = tpu.vector_load %arg5[%get3A_69] {strides = array<i32>} : memref<8192xf32, #tpu.memory_space<vmem>>, vector<16xf32>,
        %add3A_71 = arith.constant 96 : i32
        %add3A_72 = vector.broadcast %add3A_71 : i32 to vector<16xi32>
        %add3A_73 = arith.addi %iota3A, %add3A_72 : vector<16xi32>
        %add3A_74 = arith.constant 112 : i32
        %add3A_75 = arith.addi %mul3A_25, %add3A_74 : i32
        %get3A_76 = arith.index_cast %add3A_75 : i32 to index
        %get3A_77 = tpu.vector_load %arg5[%get3A_76] {strides = array<i32>} : memref<8192xf32, #tpu.memory_space<vmem>>, vector<16xf32>,
        %add3A_78 = arith.constant 112 : i32
        %add3A_79 = vector.broadcast %add3A_78 : i32 to vector<16xi32>
        %add3A_80 = arith.addi %iota3A, %add3A_79 : vector<16xi32>
        %masked_sort3A = arith.constant dense<true> : vector<16xi1>
        %masked_sort3A_81, %masked_sort3A_82, %masked_sort3A_83 = tpu.sort %get3A_28, %add3A_31 masked %masked_sort3A {descending = true} : (vector<16xf32>, vector<16xi32>, vector<16xi1>) -> (vector<16xi1>, vector<16xf32>, vector<16xi32>)
        %masked_sort3A_84 = arith.constant dense<true> : vector<16xi1>
        %masked_sort3A_85, %masked_sort3A_86, %masked_sort3A_87 = tpu.sort %get3A_35, %add3A_38 masked %masked_sort3A_84 {descending = true} : (vector<16xf32>, vector<16xi32>, vector<16xi1>) -> (vector<16xi1>, vector<16xf32>, vector<16xi32>)
        %masked_sort3A_88 = arith.constant dense<true> : vector<16xi1>
        %masked_sort3A_89, %masked_sort3A_90, %masked_sort3A_91 = tpu.sort %get3A_42, %add3A_45 masked %masked_sort3A_88 {descending = true} : (vector<16xf32>, vector<16xi32>, vector<16xi1>) -> (vector<16xi1>, vector<16xf32>, vector<16xi32>)
        %masked_sort3A_92 = arith.constant dense<true> : vector<16xi1>
        %masked_sort3A_93, %masked_sort3A_94, %masked_sort3A_95 = tpu.sort %get3A_49, %add3A_52 masked %masked_sort3A_92 {descending = true} : (vector<16xf32>, vector<16xi32>, vector<16xi1>) -> (vector<16xi1>, vector<16xf32>, vector<16xi32>)
        %masked_sort3A_96 = arith.constant dense<true> : vector<16xi1>
        %masked_sort3A_97, %masked_sort3A_98, %masked_sort3A_99 = tpu.sort %get3A_56, %add3A_59 masked %masked_sort3A_96 {descending = true} : (vector<16xf32>, vector<16xi32>, vector<16xi1>) -> (vector<16xi1>, vector<16xf32>, vector<16xi32>)
        %masked_sort3A_100 = arith.constant dense<true> : vector<16xi1>
        %masked_sort3A_101, %masked_sort3A_102, %masked_sort3A_103 = tpu.sort %get3A_63, %add3A_66 masked %masked_sort3A_100 {descending = true} : (vector<16xf32>, vector<16xi32>, vector<16xi1>) -> (vector<16xi1>, vector<16xf32>, vector<16xi32>)
        %masked_sort3A_104 = arith.constant dense<true> : vector<16xi1>
        %masked_sort3A_105, %masked_sort3A_106, %masked_sort3A_107 = tpu.sort %get3A_70, %add3A_73 masked %masked_sort3A_104 {descending = true} : (vector<16xf32>, vector<16xi32>, vector<16xi1>) -> (vector<16xi1>, vector<16xf32>, vector<16xi32>)
        %masked_sort3A_108 = arith.constant dense<true> : vector<16xi1>
        %masked_sort3A_109, %masked_sort3A_110, %masked_sort3A_111 = tpu.sort %get3A_77, %add3A_80 masked %masked_sort3A_108 {descending = true} : (vector<16xf32>, vector<16xi32>, vector<16xi1>) -> (vector<16xi1>, vector<16xf32>, vector<16xi32>)
        %rev3A = arith.constant 15 : i32
        %rev3A_112 = vector.broadcast %rev3A : i32 to vector<16xi32>
        %rev3A_113 = tpu.iota {dimensions = array<i32: 0>} : vector<16xi32>
        %rev3A_114 = arith.subi %rev3A_112, %rev3A_113 : vector<16xi32>
        %rev3A_115 = tpu.dynamic_gather %masked_sort3A_86[%rev3A_114] in [0] : vector<16xf32>, vector<16xi32> -> vector<16xf32>
        %rev3A_116 = arith.constant 15 : i32
        %rev3A_117 = vector.broadcast %rev3A_116 : i32 to vector<16xi32>
        %rev3A_118 = tpu.iota {dimensions = array<i32: 0>} : vector<16xi32>
        %rev3A_119 = arith.subi %rev3A_117, %rev3A_118 : vector<16xi32>
        %rev3A_120 = tpu.dynamic_gather %masked_sort3A_87[%rev3A_119] in [0] : vector<16xi32>, vector<16xi32> -> vector<16xi32>
        %ge3A = arith.cmpf oge, %masked_sort3A_82, %rev3A_115 : vector<16xf32>
        %select_n3A = arith.select %ge3A, %masked_sort3A_82, %rev3A_115 : vector<16xi1>, vector<16xf32>
        %select_n3A_121 = arith.select %ge3A, %masked_sort3A_83, %rev3A_120 : vector<16xi1>, vector<16xi32>
        %masked_sort3A_122 = arith.constant dense<true> : vector<16xi1>
        %masked_sort3A_123, %masked_sort3A_124, %masked_sort3A_125 = tpu.sort %select_n3A, %select_n3A_121 masked %masked_sort3A_122 {descending = true} : (vector<16xf32>, vector<16xi32>, vector<16xi1>) -> (vector<16xi1>, vector<16xf32>, vector<16xi32>)
        %rev3A_126 = arith.constant 15 : i32
        %rev3A_127 = vector.broadcast %rev3A_126 : i32 to vector<16xi32>
        %rev3A_128 = tpu.iota {dimensions = array<i32: 0>} : vector<16xi32>
        %rev3A_129 = arith.subi %rev3A_127, %rev3A_128 : vector<16xi32>
        %rev3A_130 = tpu.dynamic_gather %masked_sort3A_94[%rev3A_129] in [0] : vector<16xf32>, vector<16xi32> -> vector<16xf32>
        %rev3A_131 = arith.constant 15 : i32
        %rev3A_132 = vector.broadcast %rev3A_131 : i32 to vector<16xi32>
        %rev3A_133 = tpu.iota {dimensions = array<i32: 0>} : vector<16xi32>
        %rev3A_134 = arith.subi %rev3A_132, %rev3A_133 : vector<16xi32>
        %rev3A_135 = tpu.dynamic_gather %masked_sort3A_95[%rev3A_134] in [0] : vector<16xi32>, vector<16xi32> -> vector<16xi32>
        %ge3A_136 = arith.cmpf oge, %masked_sort3A_90, %rev3A_130 : vector<16xf32>
        %select_n3A_137 = arith.select %ge3A_136, %masked_sort3A_90, %rev3A_130 : vector<16xi1>, vector<16xf32>
        %select_n3A_138 = arith.select %ge3A_136, %masked_sort3A_91, %rev3A_135 : vector<16xi1>, vector<16xi32>
        %masked_sort3A_139 = arith.constant dense<true> : vector<16xi1>
        %masked_sort3A_140, %masked_sort3A_141, %masked_sort3A_142 = tpu.sort %select_n3A_137, %select_n3A_138 masked %masked_sort3A_139 {descending = true} : (vector<16xf32>, vector<16xi32>, vector<16xi1>) -> (vector<16xi1>, vector<16xf32>, vector<16xi32>)
        %rev3A_143 = arith.constant 15 : i32
        %rev3A_144 = vector.broadcast %rev3A_143 : i32 to vector<16xi32>
        %rev3A_145 = tpu.iota {dimensions = array<i32: 0>} : vector<16xi32>
        %rev3A_146 = arith.subi %rev3A_144, %rev3A_145 : vector<16xi32>
        %rev3A_147 = tpu.dynamic_gather %masked_sort3A_102[%rev3A_146] in [0] : vector<16xf32>, vector<16xi32> -> vector<16xf32>
        %rev3A_148 = arith.constant 15 : i32
        %rev3A_149 = vector.broadcast %rev3A_148 : i32 to vector<16xi32>
        %rev3A_150 = tpu.iota {dimensions = array<i32: 0>} : vector<16xi32>
        %rev3A_151 = arith.subi %rev3A_149, %rev3A_150 : vector<16xi32>
        %rev3A_152 = tpu.dynamic_gather %masked_sort3A_103[%rev3A_151] in [0] : vector<16xi32>, vector<16xi32> -> vector<16xi32>
        %ge3A_153 = arith.cmpf oge, %masked_sort3A_98, %rev3A_147 : vector<16xf32>
        %select_n3A_154 = arith.select %ge3A_153, %masked_sort3A_98, %rev3A_147 : vector<16xi1>, vector<16xf32>
        %select_n3A_155 = arith.select %ge3A_153, %masked_sort3A_99, %rev3A_152 : vector<16xi1>, vector<16xi32>
        %masked_sort3A_156 = arith.constant dense<true> : vector<16xi1>
        %masked_sort3A_157, %masked_sort3A_158, %masked_sort3A_159 = tpu.sort %select_n3A_154, %select_n3A_155 masked %masked_sort3A_156 {descending = true} : (vector<16xf32>, vector<16xi32>, vector<16xi1>) -> (vector<16xi1>, vector<16xf32>, vector<16xi32>)
        %rev3A_160 = arith.constant 15 : i32
        %rev3A_161 = vector.broadcast %rev3A_160 : i32 to vector<16xi32>
        %rev3A_162 = tpu.iota {dimensions = array<i32: 0>} : vector<16xi32>
        %rev3A_163 = arith.subi %rev3A_161, %rev3A_162 : vector<16xi32>
        %rev3A_164 = tpu.dynamic_gather %masked_sort3A_110[%rev3A_163] in [0] : vector<16xf32>, vector<16xi32> -> vector<16xf32>
        %rev3A_165 = arith.constant 15 : i32
        %rev3A_166 = vector.broadcast %rev3A_165 : i32 to vector<16xi32>
        %rev3A_167 = tpu.iota {dimensions = array<i32: 0>} : vector<16xi32>
        %rev3A_168 = arith.subi %rev3A_166, %rev3A_167 : vector<16xi32>
        %rev3A_169 = tpu.dynamic_gather %masked_sort3A_111[%rev3A_168] in [0] : vector<16xi32>, vector<16xi32> -> vector<16xi32>
        %ge3A_170 = arith.cmpf oge, %masked_sort3A_106, %rev3A_164 : vector<16xf32>
        %select_n3A_171 = arith.select %ge3A_170, %masked_sort3A_106, %rev3A_164 : vector<16xi1>, vector<16xf32>
        %select_n3A_172 = arith.select %ge3A_170, %masked_sort3A_107, %rev3A_169 : vector<16xi1>, vector<16xi32>
        %masked_sort3A_173 = arith.constant dense<true> : vector<16xi1>
        %masked_sort3A_174, %masked_sort3A_175, %masked_sort3A_176 = tpu.sort %select_n3A_171, %select_n3A_172 masked %masked_sort3A_173 {descending = true} : (vector<16xf32>, vector<16xi32>, vector<16xi1>) -> (vector<16xi1>, vector<16xf32>, vector<16xi32>)
        %rev3A_177 = arith.constant 15 : i32
        %rev3A_178 = vector.broadcast %rev3A_177 : i32 to vector<16xi32>
        %rev3A_179 = tpu.iota {dimensions = array<i32: 0>} : vector<16xi32>
        %rev3A_180 = arith.subi %rev3A_178, %rev3A_179 : vector<16xi32>
        %rev3A_181 = tpu.dynamic_gather %masked_sort3A_141[%rev3A_180] in [0] : vector<16xf32>, vector<16xi32> -> vector<16xf32>
        %rev3A_182 = arith.constant 15 : i32
        %rev3A_183 = vector.broadcast %rev3A_182 : i32 to vector<16xi32>
        %rev3A_184 = tpu.iota {dimensions = array<i32: 0>} : vector<16xi32>
        %rev3A_185 = arith.subi %rev3A_183, %rev3A_184 : vector<16xi32>
        %rev3A_186 = tpu.dynamic_gather %masked_sort3A_142[%rev3A_185] in [0] : vector<16xi32>, vector<16xi32> -> vector<16xi32>
        %ge3A_187 = arith.cmpf oge, %masked_sort3A_124, %rev3A_181 : vector<16xf32>
        %select_n3A_188 = arith.select %ge3A_187, %masked_sort3A_124, %rev3A_181 : vector<16xi1>, vector<16xf32>
        %select_n3A_189 = arith.select %ge3A_187, %masked_sort3A_125, %rev3A_186 : vector<16xi1>, vector<16xi32>
        %masked_sort3A_190 = arith.constant dense<true> : vector<16xi1>
        %masked_sort3A_191, %masked_sort3A_192, %masked_sort3A_193 = tpu.sort %select_n3A_188, %select_n3A_189 masked %masked_sort3A_190 {descending = true} : (vector<16xf32>, vector<16xi32>, vector<16xi1>) -> (vector<16xi1>, vector<16xf32>, vector<16xi32>)
        %rev3A_194 = arith.constant 15 : i32
        %rev3A_195 = vector.broadcast %rev3A_194 : i32 to vector<16xi32>
        %rev3A_196 = tpu.iota {dimensions = array<i32: 0>} : vector<16xi32>
        %rev3A_197 = arith.subi %rev3A_195, %rev3A_196 : vector<16xi32>
        %rev3A_198 = tpu.dynamic_gather %masked_sort3A_175[%rev3A_197] in [0] : vector<16xf32>, vector<16xi32> -> vector<16xf32>
        %rev3A_199 = arith.constant 15 : i32
        %rev3A_200 = vector.broadcast %rev3A_199 : i32 to vector<16xi32>
        %rev3A_201 = tpu.iota {dimensions = array<i32: 0>} : vector<16xi32>
        %rev3A_202 = arith.subi %rev3A_200, %rev3A_201 : vector<16xi32>
        %rev3A_203 = tpu.dynamic_gather %masked_sort3A_176[%rev3A_202] in [0] : vector<16xi32>, vector<16xi32> -> vector<16xi32>
        %ge3A_204 = arith.cmpf oge, %masked_sort3A_158, %rev3A_198 : vector<16xf32>
        %select_n3A_205 = arith.select %ge3A_204, %masked_sort3A_158, %rev3A_198 : vector<16xi1>, vector<16xf32>
        %select_n3A_206 = arith.select %ge3A_204, %masked_sort3A_159, %rev3A_203 : vector<16xi1>, vector<16xi32>
        %masked_sort3A_207 = arith.constant dense<true> : vector<16xi1>
        %masked_sort3A_208, %masked_sort3A_209, %masked_sort3A_210 = tpu.sort %select_n3A_205, %select_n3A_206 masked %masked_sort3A_207 {descending = true} : (vector<16xf32>, vector<16xi32>, vector<16xi1>) -> (vector<16xi1>, vector<16xf32>, vector<16xi32>)
        %rev3A_211 = arith.constant 15 : i32
        %rev3A_212 = vector.broadcast %rev3A_211 : i32 to vector<16xi32>
        %rev3A_213 = tpu.iota {dimensions = array<i32: 0>} : vector<16xi32>
        %rev3A_214 = arith.subi %rev3A_212, %rev3A_213 : vector<16xi32>
        %rev3A_215 = tpu.dynamic_gather %masked_sort3A_209[%rev3A_214] in [0] : vector<16xf32>, vector<16xi32> -> vector<16xf32>
        %rev3A_216 = arith.constant 15 : i32
        %rev3A_217 = vector.broadcast %rev3A_216 : i32 to vector<16xi32>
        %rev3A_218 = tpu.iota {dimensions = array<i32: 0>} : vector<16xi32>
        %rev3A_219 = arith.subi %rev3A_217, %rev3A_218 : vector<16xi32>
        %rev3A_220 = tpu.dynamic_gather %masked_sort3A_210[%rev3A_219] in [0] : vector<16xi32>, vector<16xi32> -> vector<16xi32>
        %ge3A_221 = arith.cmpf oge, %masked_sort3A_192, %rev3A_215 : vector<16xf32>
        %select_n3A_222 = arith.select %ge3A_221, %masked_sort3A_192, %rev3A_215 : vector<16xi1>, vector<16xf32>
        %select_n3A_223 = arith.select %ge3A_221, %masked_sort3A_193, %rev3A_220 : vector<16xi1>, vector<16xi32>
        %masked_sort3A_224 = arith.constant dense<true> : vector<16xi1>
        %masked_sort3A_225, %masked_sort3A_226, %masked_sort3A_227 = tpu.sort %select_n3A_222, %select_n3A_223 masked %masked_sort3A_224 {descending = true} : (vector<16xf32>, vector<16xi32>, vector<16xi1>) -> (vector<16xi1>, vector<16xf32>, vector<16xi32>)
        %lt3A = arith.constant 8 : i32
        %lt3A_228 = vector.broadcast %lt3A : i32 to vector<16xi32>
        %lt3A_229 = arith.cmpi slt, %iota3A, %lt3A_228 : vector<16xi32>
        %jit3A = arith.constant 0.000000e+00 : f32
        %broadcast_in_dim3A = vector.broadcast %jit3A : f32 to vector<16xf32>
        %select_n3A_230 = arith.select %lt3A_229, %masked_sort3A_226, %broadcast_in_dim3A : vector<16xi1>, vector<16xf32>
        %reduce_sum3A = arith.constant true
        %reduce_sum3A_231 = vector.broadcast %reduce_sum3A : i1 to vector<16xi1>
        %reduce_sum3A_232 = tpu.scan <sum>, %select_n3A_230 masked %reduce_sum3A_231 : vector<16xf32>, vector<16xi1> -> vector<16xf32>
        %reduce_sum3A_233 = vector.extract %reduce_sum3A_232[15] : f32 from vector<16xf32>
        %add3A_234 = arith.constant 9.99999968E-21 : f32
        %add3A_235 = arith.addf %reduce_sum3A_233, %add3A_234 : f32
        %div3A = vector.broadcast %add3A_235 : f32 to vector<16xf32>
        %div3A_236 = arith.divf %masked_sort3A_226, %div3A : vector<16xf32>
        %mul3A_237 = arith.constant 8 : i32
        %mul3A_238 = arith.muli %scan3A_23, %mul3A_237 : i32
        %swap3A = arith.index_cast %mul3A_238 : i32 to index
        %swap3A_239 = tpu.vector_load %arg6[%swap3A] {strides = array<i32>} : memref<520xi32, #tpu.memory_space<vmem>>, vector<16xi32>,
        tpu.vector_store %arg6[%swap3A], %masked_sort3A_227 {strides = array<i32>} : memref<520xi32, #tpu.memory_space<vmem>>, vector<16xi32>,
        %mul3A_240 = arith.constant 8 : i32
        %mul3A_241 = arith.muli %scan3A_23, %mul3A_240 : i32
        %swap3A_242 = arith.index_cast %mul3A_241 : i32 to index
        %swap3A_243 = tpu.vector_load %arg7[%swap3A_242] {strides = array<i32>} : memref<520xf32, #tpu.memory_space<vmem>>, vector<16xf32>,
        tpu.vector_store %arg7[%swap3A_242], %div3A_236 {strides = array<i32>} : memref<520xf32, #tpu.memory_space<vmem>>, vector<16xf32>,
      }
      %scan3A_17 = arith.constant 64 : i32
      %mul3A_18 = arith.constant 64 : i32
      %mul3A_19 = arith.muli %scan3A_7, %mul3A_18 : i32
      %add3A_20 = arith.addi %mul3A_2, %mul3A_19 : i32
      %mul3A_21 = arith.constant 8 : i32
      %mul3A_22 = arith.muli %add3A_20, %mul3A_21 : i32
      "tpu.region"() ({
        %run_scoped3A = tpu.sem_alloc : memref<!tpu.dma_semaphore, #tpu.memory_space<semaphore_mem>>
        %dma_start3A = arith.constant 0 : i32
        %dma_start3A_23 = tpu.memref_slice %arg6[%dma_start3A] : memref<520xi32, #tpu.memory_space<vmem>> -> memref<512xi32, #tpu.memory_space<vmem>>
        %dma_start3A_24 = tpu.memref_slice %arg3[%mul3A_22] : memref<262144xi32, #tpu.memory_space<hbm>> -> memref<512xi32, #tpu.memory_space<hbm>>
        %dma_start3A_25 = tpu.memref_slice %arg3[%mul3A_22] : memref<262144xi32, #tpu.memory_space<hbm>> -> memref<512xi32, #tpu.memory_space<hbm>>
        %dma_start3A_26 = arith.constant 0 : i32
        %dma_start3A_27 = tpu.memref_slice %arg6[%dma_start3A_26] : memref<520xi32, #tpu.memory_space<vmem>> -> memref<512xi32, #tpu.memory_space<vmem>>
        tpu.enqueue_dma source(%dma_start3A_27 : memref<512xi32, #tpu.memory_space<vmem>>) target(%dma_start3A_25 : memref<512xi32, #tpu.memory_space<hbm>>) target_semaphore(%run_scoped3A : memref<!tpu.dma_semaphore, #tpu.memory_space<semaphore_mem>>)
        %dma_wait3A = arith.constant 0 : i32
        %dma_wait3A_28 = tpu.memref_slice %arg6[%dma_wait3A] : memref<520xi32, #tpu.memory_space<vmem>> -> memref<512xi32, #tpu.memory_space<vmem>>
        %dma_wait3A_29 = tpu.memref_slice %arg3[%mul3A_22] : memref<262144xi32, #tpu.memory_space<hbm>> -> memref<512xi32, #tpu.memory_space<hbm>>
        %dma_wait3A_30 = tpu.memref_slice %arg3[%mul3A_22] : memref<262144xi32, #tpu.memory_space<hbm>> -> memref<512xi32, #tpu.memory_space<hbm>>
        %dma_wait3A_31 = arith.constant 0 : i32
        %dma_wait3A_32 = tpu.memref_slice %arg6[%dma_wait3A_31] : memref<520xi32, #tpu.memory_space<vmem>> -> memref<512xi32, #tpu.memory_space<vmem>>
        tpu.wait_dma2 semaphore(%run_scoped3A : memref<!tpu.dma_semaphore, #tpu.memory_space<semaphore_mem>>) src(%dma_wait3A_32 : memref<512xi32, #tpu.memory_space<vmem>>) dst(%dma_wait3A_30 : memref<512xi32, #tpu.memory_space<hbm>>)
        tpu.yield
      }) : () -> ()
      "tpu.region"() ({
        %run_scoped3A = tpu.sem_alloc : memref<!tpu.dma_semaphore, #tpu.memory_space<semaphore_mem>>
        %dma_start3A = arith.constant 0 : i32
        %dma_start3A_23 = tpu.memref_slice %arg7[%dma_start3A] : memref<520xf32, #tpu.memory_space<vmem>> -> memref<512xf32, #tpu.memory_space<vmem>>
        %dma_start3A_24 = tpu.memref_slice %arg4[%mul3A_22] : memref<262144xf32, #tpu.memory_space<hbm>> -> memref<512xf32, #tpu.memory_space<hbm>>
        %dma_start3A_25 = tpu.memref_slice %arg4[%mul3A_22] : memref<262144xf32, #tpu.memory_space<hbm>> -> memref<512xf32, #tpu.memory_space<hbm>>
        %dma_start3A_26 = arith.constant 0 : i32
        %dma_start3A_27 = tpu.memref_slice %arg7[%dma_start3A_26] : memref<520xf32, #tpu.memory_space<vmem>> -> memref<512xf32, #tpu.memory_space<vmem>>
        tpu.enqueue_dma source(%dma_start3A_27 : memref<512xf32, #tpu.memory_space<vmem>>) target(%dma_start3A_25 : memref<512xf32, #tpu.memory_space<hbm>>) target_semaphore(%run_scoped3A : memref<!tpu.dma_semaphore, #tpu.memory_space<semaphore_mem>>)
        %dma_wait3A = arith.constant 0 : i32
        %dma_wait3A_28 = tpu.memref_slice %arg7[%dma_wait3A] : memref<520xf32, #tpu.memory_space<vmem>> -> memref<512xf32, #tpu.memory_space<vmem>>
        %dma_wait3A_29 = tpu.memref_slice %arg4[%mul3A_22] : memref<262144xf32, #tpu.memory_space<hbm>> -> memref<512xf32, #tpu.memory_space<hbm>>
        %dma_wait3A_30 = tpu.memref_slice %arg4[%mul3A_22] : memref<262144xf32, #tpu.memory_space<hbm>> -> memref<512xf32, #tpu.memory_space<hbm>>
        %dma_wait3A_31 = arith.constant 0 : i32
        %dma_wait3A_32 = tpu.memref_slice %arg7[%dma_wait3A_31] : memref<520xf32, #tpu.memory_space<vmem>> -> memref<512xf32, #tpu.memory_space<vmem>>
        tpu.wait_dma2 semaphore(%run_scoped3A : memref<!tpu.dma_semaphore, #tpu.memory_space<semaphore_mem>>) src(%dma_wait3A_32 : memref<512xf32, #tpu.memory_space<vmem>>) dst(%dma_wait3A_30 : memref<512xf32, #tpu.memory_space<hbm>>)
        tpu.yield
      }) : () -> ()
    }
    %scan3A_6 = arith.constant 16 : i32
    return
  }
}

module attributes {stable_mosaic.version = 14 : i64} {
  func.func @_scores_body(%arg0: i32, %arg1: memref<512x1024xf32, #tpu.memory_space<vmem>>, %arg2: memref<128x1024xf32, #tpu.memory_space<vmem>>, %arg3: memref<512x128xf32, #tpu.memory_space<vmem>>) attributes {dimension_semantics = [#tpu.dimension_semantics<arbitrary>], iteration_bounds = array<i64: 64>, scalar_prefetch = 0 : i64, scratch_operands = 0 : i64, tpu.core_type = #tpu.core_type<tc>, window_params = [{transform_indices = @transform_0, window_bounds = array<i64: 512, 1024>}, {pipeline_mode = #tpu.pipeline_mode<synchronous>, transform_indices = @transform_1, window_bounds = array<i64: 128, 1024>}, {transform_indices = @transform_2, window_bounds = array<i64: 512, 128>}]} {
    %get3A = arith.constant 0 : index
    %get3A_0 = arith.constant 0 : index
    %get3A_1 = vector.load %arg1[%get3A, %get3A_0] : memref<512x1024xf32, #tpu.memory_space<vmem>>, vector<512x1024xf32>
    %get3A_2 = arith.constant 0 : index
    %get3A_3 = arith.constant 0 : index
    %get3A_4 = vector.load %arg2[%get3A_2, %get3A_3] : memref<128x1024xf32, #tpu.memory_space<vmem>>, vector<128x1024xf32>
    %dot_general3A = arith.constant dense<0.000000e+00> : vector<512x128xf32>
    %dot_general3A_5 = tpu.matmul %get3A_1, %get3A_4, %dot_general3A {dimension_numbers = #tpu.dot_dimension_numbers<[1], [1], [0], [0], [0, 0, 1, 0], [], []>, transpose_lhs_hint = false} : vector<512x1024xf32>, vector<128x1024xf32>, vector<512x128xf32> -> vector<512x128xf32>
    %logistic3A = arith.negf %dot_general3A_5 : vector<512x128xf32>
    %logistic3A_6 = math.exp %logistic3A : vector<512x128xf32>
    %logistic3A_7 = arith.constant 1.000000e+00 : f32
    %logistic3A_8 = vector.broadcast %logistic3A_7 : f32 to vector<512x128xf32>
    %logistic3A_9 = arith.addf %logistic3A_8, %logistic3A_6 : vector<512x128xf32>
    %logistic3A_10 = arith.divf %logistic3A_8, %logistic3A_9 : vector<512x128xf32>
    %swap3A = arith.constant 0 : index
    %swap3A_11 = arith.constant 0 : index
    %swap3A_12 = vector.load %arg3[%swap3A, %swap3A_11] : memref<512x128xf32, #tpu.memory_space<vmem>>, vector<512x128xf32>
    tpu.vector_store %arg3[%swap3A, %swap3A_11], %logistic3A_10 {strides = array<i32>} : memref<512x128xf32, #tpu.memory_space<vmem>>, vector<512x128xf32>,
    return
  }
  func.func @transform_0(%arg0: i32) -> (i32, i32) {
    %c0_i32 = arith.constant 0 : i32
    %c0_i32_0 = arith.constant 0 : i32
    return %arg0, %c0_i32 : i32, i32
  }
  func.func @transform_1(%arg0: i32) -> (i32, i32) {
    %c0_i32 = arith.constant 0 : i32
    %c0_i32_0 = arith.constant 0 : i32
    %c0_i32_1 = arith.constant 0 : i32
    return %c0_i32, %c0_i32_0 : i32, i32
  }
  func.func @transform_2(%arg0: i32) -> (i32, i32) {
    %c0_i32 = arith.constant 0 : i32
    %c0_i32_0 = arith.constant 0 : i32
    return %arg0, %c0_i32 : i32, i32
  }
}

</mosaic_0001>

<sc_bundles>
// kernel: kernel.4.cloned.1.call-start
scs
__scs_entry_jumppad:
0x0: {  	(pc) =	sbr.rel $0x88, $3  }
0x1: {  	(tag) =	ssettag $0x0;
	lr =	simm.s32 $0x1  }
0x2: {  	[smem:$0x3F9F] =	sst lr;
	_ =	strace $0xD0000000  }
0x3: {  	_ = 	snop  }
0x4: {  	_ = 	snop  }
0x5: {  	_ = 	snop  }
0x6: {  	_ = 	snop  }
0x7: {  	_ = 	snop  }
__scs_overlays_trampoline_lowered:
0x8: {  	[smem:$0x3FAE] =	sst s0  }
0x9: {  	[smem:$0x3FAF] =	sst s1  }
0xa: {  	[smem:$0x3FB0] =	sst s2  }
0xb: {  	[smem:$0x3FB1] =	sst s3  }
0xc: {  	[smem:$0x3FB2] =	sst s4  }
0xd: {  	[smem:$0x3FB3] =	sst s5  }
0xe: {  	[smem:$0x3FB4] =	sst s6  }
0xf: {  	[smem:$0x3FB5] =	sst s7  }
0x10: {  	[smem:$0x3FB6] =	sst s8  }
0x11: {  	[smem:$0x3FB7] =	sst s9;
	s0 =	simm.s32 @!p0 $0x0  }
0x12: {  	s1 =	sld [smem:$0x3F9D];
	s0 =	simm.s32 @p0 $0x1  }
0x13: {  	[smem:$0x3FB8] =	sst s0;
	s0 =	simm.s32 @!p1 $0x0  }
0x14: {  	s2 =	sld [smem:$0x3F9C];
	s0 =	simm.s32 @p1 $0x1  }
0x15: {  	[smem:$0x3FB9] =	sst s0;
	s0 =	simm.s32 @!p2 $0x0  }
0x16: {  	s3 =	sld [smem:$0x3FDB];
	s0 =	simm.s32 @p2 $0x1  }
0x17: {  	s4 =	simm.s32 $0x1BF5;
	[smem:$0x3FBB] =	sst s0  }
0x18: {  	s0 =	sld [smem:$0x3F9E];
	_ =	swait.ge [sflag:s4], $0x0  }
0x19: {  	s7 =	sld [smem:$0x3F9F]  }
0x1a: {  	s8 =	sadd.s32 $0xFFFFE003, lr  }
0x1b: {  	s9 =	sadd.s32 $0xFFFFFEF7, lr;
	s5 =	simm.s32 $0xFFFFFFFF;
	p2 =	slt.u32 s8, $0xFFFFF086  }
0x1c: {  	p1 =	slt.u32 s9, $0xF7A;
	s5 =	simm.s32 @!p2 $0x0  }
0x1d: {  	s5 =	simm.s32 @p1 $0x1;
	p0 =	seq.s32 s7, s2  }
0x1e: {  	s7 =	smul.u32 @!p0 $0xF7A, s2;
	p2 =	seq.s32 @!p0 s5, $0x0  }
0x1f: {  	s9 =	smul.u32 $0xF7A, s1;
	s8 =	simm.s32 @!p0 $0x1BF5;
	p2 =	por !p2, p0  }
0x20: {  	[sflag:s8] =	ssyncset.s32 @!p0 $0xFFFFF086;
	s6 =	sadd.s32 @!p0 s3, s7;
	s7 =	simm.s32 @!p0 $0x108  }
0x21: {  	s3 =	sadd.s32 s3, s9;
	s6 =	sadd.s32 @!p0 $0x88, s6;
	s7 =	simm.s32 @p2 $0x1082  }
0x22: {  	[simem:s7], [sflag:s8] =	dma.local @!p0 [hbm:s6], $0xF7A  }
0x23: {  	s9 =	sor.u32 $0xD0000000, s2;
	s6 =	simm.s32 $0x108;
	_ =	swait.ge @!p0 [sflag:s8], $0x0  }
0x24: {  	s3 =	sadd.s32 $0x88, s3;
	s6 =	simm.s32 @!p1 $0x1082;
	[sflag:s4] =	ssyncset.s32 $0xFFFFF086  }
0x25: {  	[simem:s6], [sflag:s4] =	dma.local [hbm:s3], $0xF7A  }
0x26: {  	[smem:$0x3F9F] =	sst s1;
	(tag) =	ssettag s2;
	_ =	strace s9  }
0x27: {  	s1 =	sld [smem:$0x3FAF]  }
0x28: {  	s2 =	sld [smem:$0x3FB0]  }
0x29: {  	s4 =	sld [smem:$0x3FB2]  }
0x2a: {  	p0 =	seq.s32 s5, $0x0;
	s5 =	sld [smem:$0x3FB3]  }
0x2b: {  	s6 =	sld [smem:$0x3FB4]  }
0x2c: {  	s7 =	sld [smem:$0x3FB5]  }
0x2d: {  	s3 =	simm.s32 $0x108;
	s8 =	sld [smem:$0x3FB6]  }
0x2e: {  	s3 =	simm.s32 @!p0 $0x1082;
	s9 =	sld [smem:$0x3FB7]  }
0x2f: {  	lr =	sadd.s32 s0, s3;
	s0 =	sld [smem:$0x3FAE]  }
0x30: {  	s3 =	sld [smem:$0x3FB1]  }
0x31: {  	[smem:$0x3FBA] =	sst s10  }
0x32: {  	s10 =	sld [smem:$0x3FB8];
	_ =	sdelay $0x3  }
0x33: {  	p0 =	seq.s32 s10, $0x1;
	s10 =	sld [smem:$0x3FBA];
	_ =	sdelay $0x3  }
0x34: {  	[smem:$0x3FBA] =	sst s10  }
0x35: {  	s10 =	sld [smem:$0x3FB9];
	_ =	sdelay $0x3  }
0x36: {  	p1 =	seq.s32 s10, $0x1;
	s10 =	sld [smem:$0x3FBA];
	_ =	sdelay $0x3  }
0x37: {  	[smem:$0x3FBA] =	sst s10  }
0x38: {  	s10 =	sld [smem:$0x3FBB]  }
0x39: {  	_ = 	snop;
	(pc) =	sbr.ind lr, $3  }
0x3a: {  	_ = 	snop  }
0x3b: {  	_ = 	snop  }
0x3c: {  	p2 =	seq.s32 s10, $0x1;
	s10 =	sld [smem:$0x3FBA]  }
0x3d: {  	_ =	shalt  }
0x3e: {  	_ =	shalt  }
0x3f: {  	_ =	shalt  }
0x40: {  	_ =	shalt  }
0x41: {  	_ =	shalt  }
0x42: {  	_ =	shalt  }
0x43: {  	_ =	shalt  }
0x44: {  	_ =	shalt  }
0x45: {  	_ =	shalt  }
0x46: {  	_ =	shalt  }
0x47: {  	_ =	shalt  }
0x48: {  	_ =	shalt  }
0x49: {  	_ =	shalt  }
0x4a: {  	_ =	shalt  }
0x4b: {  	_ =	shalt  }
0x4c: {  	_ =	shalt  }
0x4d: {  	_ =	shalt  }
0x4e: {  	_ =	shalt  }
0x4f: {  	_ =	shalt  }
0x50: {  	_ =	shalt  }
0x51: {  	_ =	shalt  }
0x52: {  	_ =	shalt  }
0x53: {  	_ =	shalt  }
0x54: {  	_ =	shalt  }
0x55: {  	_ =	shalt  }
0x56: {  	_ =	shalt  }
0x57: {  	_ =	shalt  }
0x58: {  	_ =	shalt  }
0x59: {  	_ =	shalt  }
0x5a: {  	_ =	shalt  }
0x5b: {  	_ =	shalt  }
0x5c: {  	_ =	shalt  }
0x5d: {  	_ =	shalt  }
0x5e: {  	_ =	shalt  }
0x5f: {  	_ =	shalt  }
0x60: {  	_ =	shalt  }
0x61: {  	_ =	shalt  }
0x62: {  	_ =	shalt  }
0x63: {  	_ =	shalt  }
0x64: {  	_ =	shalt  }
0x65: {  	_ =	shalt  }
0x66: {  	_ =	shalt  }
0x67: {  	_ =	shalt  }
0x68: {  	_ =	shalt  }
0x69: {  	_ =	shalt  }
0x6a: {  	_ =	shalt  }
0x6b: {  	_ =	shalt  }
0x6c: {  	_ =	shalt  }
0x6d: {  	_ =	shalt  }
0x6e: {  	_ =	shalt  }
0x6f: {  	_ =	shalt  }
0x70: {  	_ =	shalt  }
0x71: {  	_ =	shalt  }
0x72: {  	_ =	shalt  }
0x73: {  	_ =	shalt  }
0x74: {  	_ =	shalt  }
0x75: {  	_ =	shalt  }
0x76: {  	_ =	shalt  }
0x77: {  	_ =	shalt  }
0x78: {  	_ =	shalt  }
0x79: {  	_ =	shalt  }
0x7a: {  	_ =	shalt  }
0x7b: {  	_ =	shalt  }
0x7c: {  	_ =	shalt  }
0x7d: {  	_ =	shalt  }
0x7e: {  	_ =	shalt  }
0x7f: {  	_ =	shalt  }
0x80: {  	_ =	shalt  }
0x81: {  	_ =	shalt  }
0x82: {  	_ =	shalt  }
0x83: {  	_ =	shalt  }
0x84: {  	_ =	shalt  }
0x85: {  	_ =	shalt  }
0x86: {  	_ =	shalt  }
0x87: {  	_ =	shalt  }
.Lfunc_end0:
.L_simem_size_0:
called_computation_lowered:
.L_overlay_start_0:
0x88: {  	s2 =	sld [smem:$0x3FD9]  }
0x89: {  	s3 =	sld [smem:$0x3FFE];
	_ =	sdelay $0x1  }
0x8a: {  	s1 =	srdreg.scid  }
0x8b: {  	s0 =	sand.u32 $0x1, s1  }
0x8c: {  	s14 =	sshll.u32 s0, $0xA;
	s2 =	sadd.s32 s3, s2  }
0x8d: {  	s2 =	sadd.s32 s2, s14  }
0x8e: {  	[smem:$0x3FC6] =	sst s2  }
0x8f: {  	_ = 	snop  }
0x90: {  	s2 =	sld [smem:$0x3FD0];
	_ =	sdelay $0x2  }
0x91: {  	s15 =	simm.s32 $0xA;
	s4 =	simm.s32 $0x10  }
0x92: {  	[smem:s4], [sflag:s15] =	dma.local [hbm:s2], $0x1  }
0x93: {  	_ =	swait.eq [sflag:s15], $0x1  }
0x94: {  	[sflag:s15] =	ssyncset.done $0x0  }
0x95: {  	[sflag:s15] =	ssyncadd.s32 $0xFFFFFFFF  }
0x96: {  	s16 =	sld [smem:$0x11];
	(tm) =	ssettm $0x1  }
0x97: {  	s17 =	sld [smem:$0x3FFB];
	_ =	sdelay $0x3  }
0x98: {  	_ =	strace s17  }
0x99: {  	s3 =	sld [smem:$0x3FFC];
	_ =	sdelay $0x3  }
0x9a: {  	_ =	strace s3  }
0x9b: {  	s3 =	sld [smem:$0x3FFD];
	_ =	sdelay $0x3  }
0x9c: {  	_ =	strace s3  }
0x9d: {  	_ =	strace $0x8FFFFFFF  }
0x9e: {  	s18 =	sld [smem:$0x3FDB];
	_ =	sdelay $0x1  }
0x9f: {  	s19 =	simm.s32 $_scs_section_size  }
0xa0: {  	s5 =	simm.s32 $_size__tile_overlayer_lowered;
	s6 =	simm.s32 $_tile_overlayer_lowered  }
0xa1: {  	s22 =	simm.s32 $0x1BFF;
	s21 =	sshll.u32 s6, $0x1;
	s3 =	sadd.s32 s19, s18  }
0xa2: {  	s7 =	simm.s32 $0x0;
	s20 =	sshll.u32 s5, $0x1;
	s5 =	sadd.s32 s21, s3  }
0xa3: {  	[timem:s7], [sflag:s22] =	dma.local [hbm:s5], s20  }
0xa4: {  	_ =	swait.ge [sflag:s22], s20  }
0xa5: {  	s4 =	ssub.s32 $0x0, s20;
	[sflag:s22] =	ssyncset.done $0x0  }
0xa6: {  	[sflag:s22] =	ssyncadd.s32 s4;
	_ =	sdelay $0x1  }
0xa7: {  	s23 =	simm.s32 $0x1B8B  }
0xa8: {  	_ =	swait.ge [sflag:s23], $0x1  }
0xa9: {  	[sflag:s23] =	ssyncset.done $0x0  }
0xaa: {  	s25 =	simm.s32 $0x1B8E;
	s24 =	sld [smem:$0x3FFE];
	[sflag:s23] =	ssyncadd.s32 $0xFFFFFFFF  }
0xab: {  	s26 =	simm.s32 $execute0_lowered;
	[smem:$0x3FD2] =	sst s25  }
0xac: {  	s5 =	sshll.u32 s26, $0x1;
	_ =	strace $0x80000046;
	[dreg:$0x1] =	wrdreg $0xFFFFFFFF  }
0xad: {  	s28 =	simm.s32 $_size_execute0_lowered;
	s3 =	sadd.s32 s3, s5;
	[dreg:$0x0] =	wrdreg $0x0  }
0xae: {  	s5 =	sshll.u32 s28, $0x1;
	[dreg:$0x2] =	wrdreg s3  }
0xaf: {  	[dreg:$0x3] =	wrdreg s5  }
0xb0: {  	[dreg:$0x4] =	wrdreg $0xC0  }
0xb1: {  	_ =	task [dreg:s7], $0x5FFFF  }
0xb2: {  	[dreg:$0x1] =	wrdreg $0xFFFFFFFF  }
0xb3: {  	[dreg:$0x0] =	wrdreg $0x60  }
0xb4: {  	[dreg:$0x2] =	wrdreg s24  }
0xb5: {  	[dreg:$0x3] =	wrdreg s16  }
0xb6: {  	[dreg:$0x4] =	wrdreg $0x9  }
0xb7: {  	_ =	task.clear_ibuf [dreg:s7], $0x5FFFF;
	_ =	strace $0x90000046  }
0xb8: {  	s29 =	simm.s32 $0x9;
	_ =	strace $0x80000048  }
0xb9: {  	_ =	swait.ge [sflag:s29], $0x1  }
0xba: {  	[sflag:s29] =	ssyncadd.s32 $0xFFFFFFFF  }
0xbb: {  	_ =	strace $0x90000048  }
0xbc: {  	_ =	sfence  }
0xbd: {  	s30 =	sld [smem:$0x0];
	_ =	sdelay $0x2  }
0xbe: {  	s31 =	sshll.u32 s1, $0xD;
	s1 =	sshrl.u32 s1, $0x2  }
0xbf: {  	s3 =	sand.u32 $0x4000, s31;
	s1 =	sadd.s32 s1, s30  }
0xc0: {  	s0 =	sor.u32 s3, s0;
	s1 =	sshll.u32 s1, $0x11  }
0xc1: {  	s0 =	sor.u32 s1, s0  }
0xc2: {  	s0 =	sadd.s32 $0x8F2B, s0  }
0xc3: {  	[sflag:s0] =	ssyncadd.remote.s32 $0x1  }
0xc4: {  	_ =	sfence.sel $0xFFFF  }
0xc5: {  	[dreg:$0x0] =	wrdreg $0xFFFFFFFF;
	(pc) =	sbr.abs _section_cstart, $3  }
0xc6: {  	[dreg:$0x1] =	wrdreg $0xFFFFFFFF  }
0xc7: {  	_ =	task.clear_ibuf [dreg:s7], $0x2FFFF;
	_ =	strace $0x9FFFFFFF  }
0xc8: {  	(tm) =	ssettm $0x7FFFFFFF  }
0xc9: {  	_ =	shalt  }
tec
execute0_lowered:
.L_overlay_start_1:
0x0: {  	(tag) =	ssettag $0x1  }
0x1: {  	s3 =	rddreg [dreg:$0x0]  }
0x2: {  	s1 =	rddreg [dreg:$0x1]  }
0x3: {  	s0 =	rddreg [dreg:$0x2];
	s2 =	simm.s32 $0x0  }
0x4: {  	s4 =	srdreg.scid;
	s9 =	simm.s32 $0x2000;
	s10 =	simm.s32 $0x2280  }
0x5: {  	s11 =	simm.s32 $0x0;
	[smem:$0x7FF] =	sst s2;
	s6 =	sand.u32 $0x1, s4  }
0x6: {  	v0 =	vlaneseq.u32;
	vm0 =	vmmov $0xff;
	s4 =	sadd.s32 $0xE00, s3;
	s5 =	sadd.s32 $0x80E00, s3;
	s7 =	ssub.s32 $0x2, s6  }
0x7: {  	s3 =	stileid.u32;
	v1 =	vor.u32 $0x10, v0;
	v2 =	vor.u32 $0x20, v0;
	v8 =	vmul.u32 $0xFFFFFFFF, v0;
	_ =	strace $0x80000047;
	s8 =	sshrl.u32 s7, $0x1  }
0x8: {  	v3 =	vor.u32 $0x30, v0;
	v4 =	vor.u32 $0x40, v0;
	v5 =	vor.u32 $0x50, v0;
	s31 =	sshll.u32 s3, $0xB;
	s6 =	sshll.u32 s6, $0xA;
	s7 =	ssub.s32 s7, s8  }
0x9: {  	v6 =	vor.u32 $0x60, v0;
	v7 =	vor.u32 $0x70, v0;
	s6 =	sor.u32 s6, s31;
	v8 =	vadd.s32 $0xF, v8;
	s8 =	simm.s32 $0x1;
	s7 =	smax.u32 s7, $0x1  }
.LBB2_1:
0xa: {  	s12 =	simm.s32 $0x0  }
.LBB2_2:
0xb: {  	s13 =	sshll.u32 s12, $0x6  }
0xc: {  	s13 =	sadd.s32 s6, s13  }
0xd: {  	s14 =	sshll.u32 s13, $0x4  }
0xe: {  	s15 =	sadd.s32 s4, s14;
	s14 =	simm.s32 $0x0  }
0xf: {  	[tilespmem:s14], [sflag:$0x1] =	stream.linear.gather [hbm4b:s15+s14], $0x2000, $0x38;
	[tilespmem:$0x2500] =	vst v63  }
0x10: {  	_ =	swait.ge [sflag:s8], $0x2000  }
0x11: {  	[sflag:s8] =	ssyncset.done $0x0  }
0x12: {  	s15 =	simm.s32 $0x40;
	[sflag:s8] =	ssyncadd.s32 $0xFFFFE000  }
0x13: {  	v11 =	vld [tilespmem:s15+$0x0]  }
0x14: {  	v12 =	vld [tilespmem:s15+$0xFFFFFFD0]  }
0x15: {  	v9 =	vld [tilespmem:s15+$0x10]  }
0x16: {  	s16 =	simm.s32 $0x20;
	v10 =	vld [tilespmem:s15+$0x30]  }
.LBB2_3:
0x17: {  	p0 =	sne.s32 s16, $0x7E0;
	v13 =	vld [tilespmem:s15+$0x20]  }
0x18: {  	v14 =	vld [tilespmem:s15+$0xFFFFFFF0];
	(xrf1) =	vsort.dscd.msk.f32 $0xffff, v11, v4  }
0x19: {  	(xrf1) =	vsort.dscd.msk.f32 $0xffff, v12, v1  }
0x1a: {  	v11 =	vld [tilespmem:s15+$0xFFFFFFE0];
	(xrf1) =	vsort.dscd.msk.f32 $0xffff, v9, v5  }
0x1b: {  	(xrf1) =	vsort.dscd.msk.f32 $0xffff, v10, v7  }
0x1c: {  	v9 =	vld [tilespmem:s15+$0xFFFFFFC0];
	(xrf1) =	vsort.dscd.msk.f32 $0xffff, v13, v6  }
0x1d: {  	(xrf1) =	vsort.dscd.msk.f32 $0xffff, v14, v3;
	_ =	sdelay $0x1  }
0x1e: {  	(xrf1) =	vsort.dscd.msk.f32 $0xffff, v11, v2;
	_ =	sdelay $0x1  }
0x1f: {  	(xrf1) =	vsort.dscd.msk.f32 $0xffff, v9, v0;
	_ =	sdelay $0x4  }
0x20: {  	v9, v10, _ =	vpop (xrf1)  }
0x21: {  	v11, v12, _ =	vpop (xrf1)  }
0x22: {  	v13, v14, _ =	vpop (xrf1)  }
0x23: {  	v12 =	vperm.xlane v12, v8;
	v13 =	vperm.xlane v13, v8;
	v15, v16, _ =	vpop (xrf1)  }
0x24: {  	v11 =	vperm.xlane v11, v8;
	v15 =	vperm.xlane v15, v8;
	v17, v18, _ =	vpop (xrf1)  }
0x25: {  	v14 =	vperm.xlane v14, v8;
	v22 =	vperm.xlane v16, v8;
	vm1 =	vge.f32 v9, v13;
	v19, v20, _ =	vpop (xrf1)  }
0x26: {  	v19 =	vperm.xlane v19, v8;
	v9 =	vsel vm1, v9, v13;
	vm2 =	vge.f32 v17, v15  }
0x27: {  	v13 =	vperm.xlane v20, v8;
	v21 =	vsel vm2, v17, v15;
	v20 =	vsel vm2, v18, v22;
	v17, v18, _ =	vpop (xrf1)  }
0x28: {  	v10 =	vsel vm1, v10, v14;
	vm2 =	vge.f32 v17, v19;
	(xrf1) =	vsort.dscd.msk.f32 $0xffff, v21, v20  }
0x29: {  	v14 =	vsel vm2, v17, v19;
	v13 =	vsel vm2, v18, v13;
	v15, v16, _ =	vpop (xrf1);
	(xrf1) =	vsort.dscd.msk.f32 $0xffff, v9, v10  }
0x2a: {  	vm1 =	vge.f32 v15, v11;
	(xrf1) =	vsort.dscd.msk.f32 $0xffff, v14, v13  }
0x2b: {  	v9 =	vsel vm1, v15, v11;
	v10 =	vsel vm1, v16, v12  }
0x2c: {  	(xrf1) =	vsort.dscd.msk.f32 $0xffff, v9, v10;
	_ =	sdelay $0x9  }
0x2d: {  	v9, v10, _ =	vpop (xrf1)  }
0x2e: {  	v9 =	vperm.xlane v9, v8;
	v11, v12, _ =	vpop (xrf1)  }
0x2f: {  	v10 =	vperm.xlane v10, v8;
	v13, v14, _ =	vpop (xrf1)  }
0x30: {  	v13 =	vperm.xlane v13, v8;
	vm1 =	vge.f32 v11, v9  }
0x31: {  	v14 =	vperm.xlane v14, v8;
	v9 =	vsel vm1, v11, v9;
	v10 =	vsel vm1, v12, v10;
	v11, v12, _ =	vpop (xrf1)  }
0x32: {  	vm1 =	vge.f32 v11, v13;
	(xrf1) =	vsort.dscd.msk.f32 $0xffff, v9, v10  }
0x33: {  	v9 =	vsel vm1, v11, v13;
	v10 =	vsel vm1, v12, v14  }
0x34: {  	(xrf1) =	vsort.dscd.msk.f32 $0xffff, v9, v10;
	_ =	sdelay $0xb  }
0x35: {  	v9, v10, _ =	vpop (xrf1)  }
0x36: {  	v9 =	vperm.xlane v9, v8  }
0x37: {  	v10 =	vperm.xlane v10, v8;
	v11, v12, _ =	vpop (xrf1)  }
0x38: {  	vm1 =	vge.f32 v11, v9  }
0x39: {  	v9 =	vsel vm1, v11, v9;
	v10 =	vsel vm1, v12, v10  }
0x3a: {  	(xrf1) =	vsort.dscd.msk.f32 $0xffff, v9, v10;
	_ =	sdelay $0xd  }
0x3b: {  	s17 =	sshra.s32 s14, $0x2;
	s14 =	smov.u32 s16;
	v9, v10, _ =	vpop (xrf1)  }
0x3c: {  	v11 =	vnsel vm0, $0x0, v9;
	[tilespmem:s17+$0x2000] =	vst v10  }
0x3d: {  	(xrf2) =	vadd.scan.msk.f32 $0xffff, v11;
	_ =	sdelay $0x9  }
0x3e: {  	v10, _, _ =	vpop (xrf2)  }
0x3f: {  	(v2sf) =	vpush v10, $0xF;
	_ =	sdelay $0xe  }
0x40: {  	s18 =	spop (v2sf)  }
0x41: {  	s18 =	sadd.f32 $9.999999680e-21, s18;
	_ =	sdelay $0x1  }
0x42: {  	v10 =	vmov s18  }
0x43: {  	(erf) = vrcp.f32 v10;
	_ =	sdelay $0x8  }
0x44: {  	v10 =	vpop (erf)  }
0x45: {  	v9 =	vmul.f32 v10, v9;
	_ =	sdelay $0x1  }
.Ltmp0:
0x46: {  	s15 =	sadd.s32 $0x80, s15;
	[tilespmem:s17+$0x2280] =	vst v9;
	(pc) =	sbr.rel @p0 .LBB2_3-.Ltmp0, $4  }
0x47: {  	v11 =	vld [tilespmem:s15+$0x0]  }
0x48: {  	v12 =	vld [tilespmem:s15+$0xFFFFFFD0]  }
0x49: {  	v9 =	vld [tilespmem:s15+$0x10]  }
0x4a: {  	s16 =	sadd.s32 $0x20, s16;
	v10 =	vld [tilespmem:s15+$0x30]  }
0x4b: {  	_ = 	snop  }
0x4c: {  	v13 =	vld [tilespmem:s15+$0x20];
	(xrf1) =	vsort.dscd.msk.f32 $0xffff, v11, v4  }
0x4d: {  	(xrf1) =	vsort.dscd.msk.f32 $0xffff, v12, v1  }
0x4e: {  	v14 =	vld [tilespmem:s15+$0xFFFFFFF0];
	(xrf1) =	vsort.dscd.msk.f32 $0xffff, v9, v5  }
0x4f: {  	(xrf1) =	vsort.dscd.msk.f32 $0xffff, v10, v7  }
0x50: {  	v11 =	vld [tilespmem:s15+$0xFFFFFFE0]  }
0x51: {  	(xrf1) =	vsort.dscd.msk.f32 $0xffff, v13, v6  }
0x52: {  	v9 =	vld [tilespmem:s15+$0xFFFFFFC0]  }
0x53: {  	(xrf1) =	vsort.dscd.msk.f32 $0xffff, v14, v3;
	_ =	sdelay $0x1  }
0x54: {  	(xrf1) =	vsort.dscd.msk.f32 $0xffff, v11, v2;
	_ =	sdelay $0x1  }
0x55: {  	(xrf1) =	vsort.dscd.msk.f32 $0xffff, v9, v0;
	_ =	sdelay $0x2  }
0x56: {  	v9, v10, _ =	vpop (xrf1)  }
0x57: {  	v11, v12, _ =	vpop (xrf1)  }
0x58: {  	v55, v56, _ =	vpop (xrf1)  }
0x59: {  	v15, v16, _ =	vpop (xrf1)  }
0x5a: {  	v15 =	vperm.xlane v15, v8  }
0x5b: {  	v17, v18, _ =	vpop (xrf1);
	v16 =	vperm.xlane v16, v8  }
0x5c: {  	v13 =	vperm.xlane v55, v8;
	vm2 =	vge.f32 v17, v15  }
0x5d: {  	v12 =	vperm.xlane v12, v8;
	v14 =	vperm.xlane v56, v8;
	v19, v20, _ =	vpop (xrf1);
	v16 =	vsel vm2, v18, v16  }
0x5e: {  	vm1 =	vge.f32 v9, v13;
	v19 =	vperm.xlane v19, v8;
	v15 =	vsel vm2, v17, v15  }
0x5f: {  	v11 =	vperm.xlane v11, v8;
	v9 =	vsel vm1, v9, v13;
	v57 =	vperm.xlane v20, v8;
	v58, v59, _ =	vpop (xrf1)  }
0x60: {  	v10 =	vsel vm1, v10, v14;
	vm2 =	vge.f32 v58, v19;
	(xrf1) =	vsort.dscd.msk.f32 $0xffff, v15, v16  }
0x61: {  	v60 =	vsel vm2, v58, v19;
	v13 =	vsel vm2, v59, v57;
	(xrf1) =	vsort.dscd.msk.f32 $0xffff, v9, v10;
	v15, v16, _ =	vpop (xrf1)  }
0x62: {  	(xrf1) =	vsort.dscd.msk.f32 $0xffff, v60, v13;
	vm1 =	vge.f32 v15, v11  }
0x63: {  	v9 =	vsel vm1, v15, v11;
	v10 =	vsel vm1, v16, v12  }
0x64: {  	(xrf1) =	vsort.dscd.msk.f32 $0xffff, v9, v10;
	_ =	sdelay $0x9  }
0x65: {  	v9, v10, _ =	vpop (xrf1)  }
0x66: {  	v9 =	vperm.xlane v9, v8;
	v11, v61, _ =	vpop (xrf1)  }
0x67: {  	v10 =	vperm.xlane v10, v8;
	v13, v14, _ =	vpop (xrf1)  }
0x68: {  	v13 =	vperm.xlane v13, v8;
	vm1 =	vge.f32 v11, v9  }
0x69: {  	v14 =	vperm.xlane v14, v8;
	v9 =	vsel vm1, v11, v9;
	v10 =	vsel vm1, v61, v10;
	v11, v62, _ =	vpop (xrf1)  }
0x6a: {  	(xrf1) =	vsort.dscd.msk.f32 $0xffff, v9, v10;
	vm1 =	vge.f32 v11, v13  }
0x6b: {  	v9 =	vsel vm1, v11, v13;
	v10 =	vsel vm1, v62, v14  }
0x6c: {  	(xrf1) =	vsort.dscd.msk.f32 $0xffff, v9, v10;
	_ =	sdelay $0xb  }
0x6d: {  	v9, v10, _ =	vpop (xrf1)  }
0x6e: {  	v9 =	vperm.xlane v9, v8  }
0x6f: {  	v10 =	vperm.xlane v10, v8;
	v11, v63, _ =	vpop (xrf1)  }
0x70: {  	vm1 =	vge.f32 v11, v9  }
0x71: {  	v9 =	vsel vm1, v11, v9;
	v10 =	vsel vm1, v63, v10  }
0x72: {  	(xrf1) =	vsort.dscd.msk.f32 $0xffff, v9, v10;
	_ =	sdelay $0xd  }
0x73: {  	v9, v10, _ =	vpop (xrf1)  }
0x74: {  	v11 =	vnsel vm0, $0x0, v9  }
0x75: {  	(xrf2) =	vadd.scan.msk.f32 $0xffff, v11;
	_ =	sdelay $0x9  }
0x76: {  	v11, _, _ =	vpop (xrf2)  }
0x77: {  	(v2sf) =	vpush v11, $0xF;
	_ =	sdelay $0xe  }
0x78: {  	s29 =	spop (v2sf)  }
0x79: {  	s15 =	sadd.f32 $9.999999680e-21, s29;
	_ =	sdelay $0x1  }
0x7a: {  	v11 =	vmov s15  }
0x7b: {  	(erf) = vrcp.f32 v11;
	_ =	sdelay $0x8  }
0x7c: {  	v11 =	vpop (erf)  }
0x7d: {  	s14 =	sshra.s32 s14, $0x2;
	v9 =	vmul.f32 v11, v9  }
0x7e: {  	[tilespmem:s14+$0x2000] =	vst v10  }
0x7f: {  	s30 =	sadd.s32 s1, s13;
	[tilespmem:s14+$0x2280] =	vst v9  }
0x80: {  	[hbm4b:s30+s2] =	stream.linear.scatter [tilespmem:s9], [sflag:$0x1], $0x200, $0x38;
	[tilespmem:$0x2500] =	vst v63  }
0x81: {  	s12 =	sadd.s32 $0x1, s12;
	_ =	swait.ge [sflag:s8], $0x200  }
0x82: {  	p0 =	sne.s32 s12, $0x10;
	[sflag:s8] =	ssyncset.done $0x0  }
.Ltmp1:
0x83: {  	s31 =	sadd.s32 s5, s13;
	[sflag:s8] =	ssyncadd.s32 $0xFFFFFE00;
	(pc) =	sbr.rel @p0 .LBB2_2-.Ltmp1, $4  }
0x84: {  	[hbm4b:s31+s2] =	stream.linear.scatter [tilespmem:s10], [sflag:$0x1], $0x200, $0x38;
	[tilespmem:$0x2500] =	vst v63  }
0x85: {  	_ =	swait.ge [sflag:s8], $0x200  }
0x86: {  	[sflag:s8] =	ssyncset.done $0x0  }
0x87: {  	[sflag:s8] =	ssyncadd.s32 $0xFFFFFE00  }
0x88: {  	s11 =	sadd.s32 $0x1, s11  }
0x89: {  	p0 =	sne.s32 s11, s7  }
.Ltmp2:
0x8a: {  	_ = 	snop;
	(pc) =	sbr.rel @p0 .LBB2_1-.Ltmp2, $1  }
0x8b: {  	_ =	sdelay $0x3  }
0x8c: {  	_ =	sfence.sel $0x180000  }
0x8d: {  	[bflag:$0x0] =	sbarrier.arrive $0xFFFF  }
0x8e: {  	p0 =	sne.s32 s3, $0x0;
	_ =	strace $0x90000047  }
0x8f: {  	s0 =	sadd.s32 @!p0 $0x100000, s0;
	[bflag:$0x2] =	sbarrier.arrive $0xFFFF  }
0x90: {  	[sflag:s0] =	ssyncadd.tile.s32 @!p0 $0x1;
	_ =	shalt  }
.Lfunc_end2:
_tile_overlayer_lowered:
.L_overlay_start_2:
0x91: {  	(tag) =	ssettag $0x2  }
0x92: {  	s0 =	rddreg [dreg:$0x0];
	s2 =	stileid.u32  }
0x93: {  	s1 =	rddreg [dreg:$0x1];
	p0 =	sne.s32 s2, $0x0  }
0x94: {  	s3 =	rddreg [dreg:$0x2];
	[bflag:$0x3] =	sbarrier.arrive $0xFFFF;
	s2 =	simm.s32 @!p0 $0x1C01  }
0x95: {  	[timem:s3], [sflag:s2] =	dma.local @!p0 [hbm:s0], s1  }
0x96: {  	s0 =	simm.s32 @!p0 $0x1  }
0x97: {  	_ =	swait.ge @!p0 [sflag:s0], s1  }
0x98: {  	s1 =	ssub.s32 @!p0 $0x0, s1;
	[sflag:s0] =	ssyncset.done @!p0 $0x0  }
0x99: {  	[sflag:s0] =	ssyncadd.s32 @!p0 s1  }
0x9a: {  	[bflag:$0x3] =	sbarrier.arrive $0xFFFF  }
0x9b: {  	_ =	shalt  }

</sc_bundles>
